<compile_context>
chip_gen: v7x
topology: tpu7x:2x2x1
jax: 0.10.2.dev20260603
libtpu: 0.0.44.dev20260713+nightly
codegen_flags: <defaults>
</compile_context>

<pallas_src>
import functools

import jax
import jax.numpy as jnp
from jax import lax
from jax.experimental import pallas as pl
from jax.experimental.pallas import tpu as pltpu
from jax.experimental.pallas import tpu_sc as plsc

_N = 100000
_G = 128
_D = 512
_NW = 32
_CHUNK = 3136
_LAST = _N - _CHUNK * (_NW - 1)
_PAD_N = 100352
_SEARCH_STEPS = 17

_mesh = plsc.VectorSubcoreMesh(core_axis_name="c", subcore_axis_name="s")


@functools.partial(
    pl.kernel,
    mesh=_mesh,
    out_type=jax.ShapeDtypeStruct((_N,), jnp.float32),
    scratch_types=[
        pltpu.VMEM((_PAD_N,), jnp.int32),
        pltpu.VMEM((_CHUNK,), jnp.float32),
    ],
)
def _sc_node_degree(batch_hbm, nodedeg_hbm, batch_v, chunk_v):
    wid = lax.axis_index("s") * 2 + lax.axis_index("c")
    base = wid * _CHUNK
    n_nodes = jnp.where(wid == _NW - 1, _LAST, _CHUNK)
    wend = base + n_nodes

    pltpu.sync_copy(batch_hbm, batch_v.at[pl.ds(0, _N)])

    lane = lax.iota(jnp.int32, 16)

    def load_at(idx):
        vv = batch_v[pl.ds(idx, 16)]
        return vv[0]

    def lower_bound(tgt):
        def step(i, lo):
            s = jnp.int32(1 << (_SEARCH_STEPS - 1)) >> i
            cand = lo + s
            idx = jnp.minimum(cand, _N) - 1
            v = load_at(idx)
            ok = (cand <= _N) & (v < tgt)
            return jnp.where(ok, cand, lo)

        return lax.fori_loop(0, _SEARCH_STEPS, step, jnp.int32(0))

    first = load_at(base)
    last = load_at(wend - 1)

    def seg_step(g, prev_lb):
        nxt = lower_bound(g + 1)
        degf = (nxt - prev_lb).astype(jnp.float32)
        s = jnp.maximum(prev_lb, base) - base
        e = jnp.minimum(nxt, wend) - base
        j0 = s // 16
        j1 = (e + 15) // 16

        def fill(j, carry):
            p = 16 * j + lane
            old = chunk_v[pl.ds(16 * j, 16)]
            m = (p >= s) & (p < e)
            chunk_v[pl.ds(16 * j, 16)] = jnp.where(m, degf, old)
            return carry

        lax.fori_loop(j0, j1, fill, jnp.int32(0))
        return nxt

    lax.fori_loop(first, last + 1, seg_step, lower_bound(first))

    @pl.when(wid < _NW - 1)
    def _():
        pltpu.sync_copy(chunk_v, nodedeg_hbm.at[pl.ds(base, _CHUNK)])

    @pl.when(wid == _NW - 1)
    def _():
        pltpu.sync_copy(
            chunk_v.at[pl.ds(0, _LAST)], nodedeg_hbm.at[pl.ds(base, _LAST)]
        )


def _tc_scale_body(x_ref, d_ref, o_ref):
    o_ref[...] = x_ref[...] * lax.rsqrt(d_ref[...])


_ROWS_PER_BLOCK = 2000
_N_BLOCKS = _N // _ROWS_PER_BLOCK

_tc_scale = pl.pallas_call(
    _tc_scale_body,
    grid=(_N_BLOCKS,),
    in_specs=[
        pl.BlockSpec((_ROWS_PER_BLOCK, _D), lambda i: (i, 0)),
        pl.BlockSpec((_ROWS_PER_BLOCK, 1), lambda i: (i, 0)),
    ],
    out_specs=pl.BlockSpec((_ROWS_PER_BLOCK, _D), lambda i: (i, 0)),
    out_shape=jax.ShapeDtypeStruct((_N, _D), jnp.float32),
)


@jax.jit
def kernel(x, batch):
    node_deg = _sc_node_degree(batch.astype(jnp.int32))
    return _tc_scale(x, node_deg.reshape(_N, 1))

# --- scband reference (transcript-rebuilt; emitter-appended) ---
"""Pipeline reference for scband-graph-size-norm-11811160064407 (READ-ONLY COPY).

The authoritative reference and input builder live on the scoring server;
editing this copy changes nothing except your own understanding.
"""

import jax, jax.numpy as jnp
import numpy as np

NUM_GRAPHS = 128

def setup_inputs(seed: int = 0) -> dict:
    key = jax.random.key(seed)
    k1, k2 = jax.random.split(key)
    x = jax.random.normal(k1, (100000, 512), dtype=jnp.float32)
    batch = jnp.sort(jax.random.randint(k2, (100000,), 0, NUM_GRAPHS, dtype=jnp.int64))
    return {"x": x, "batch": batch}

def reference(x, batch):
    # degree(batch): number of nodes per graph
    deg = jnp.bincount(batch, length=NUM_GRAPHS).astype(x.dtype)
    inv_sqrt_deg = jnp.power(deg, -0.5)
    return x * inv_sqrt_deg[batch][:, None]

if __name__ == "__main__":
    import jax
    _d = setup_inputs()
    print(jax.jit(kernel)(*tuple(_d.values())))

</pallas_src>

<mosaic_0001>
#map = affine_map<(d0, d1) -> (0)>
module attributes {stable_mosaic.version = 14 : i64} {
  func.func @_sc_node_degree(%arg0: i32, %arg1: i32, %arg2: memref<100000xi32, #tpu.memory_space<hbm>>, %arg3: memref<100000xf32, #tpu.memory_space<hbm>>, %arg4: memref<100352xi32, #tpu.memory_space<vmem>>, %arg5: memref<3136xf32, #tpu.memory_space<vmem>>) attributes {dimension_semantics = [#tpu.dimension_semantics<core_parallel>, #tpu.dimension_semantics<subcore_parallel>], iteration_bounds = array<i64: 2, 16>, scalar_prefetch = 0 : i64, scratch_operands = 2 : i64, tpu.core_type = #tpu.core_type<sc_vector_subcore>, window_params = [{transform_indices = #map}, {transform_indices = #map}]} {
    %mul3A = arith.constant 2 : i32
    %mul3A_0 = arith.muli %arg1, %mul3A : i32
    %add3A = arith.addi %mul3A_0, %arg0 : i32
    %mul3A_1 = arith.constant 3136 : i32
    %mul3A_2 = arith.muli %add3A, %mul3A_1 : i32
    %eq3A = arith.constant 31 : i32
    %eq3A_3 = arith.cmpi eq, %add3A, %eq3A : i32
    %jit3A = arith.constant 2784 : i32
    %jit3A_4 = arith.constant 3136 : i32
    %select_n3A = arith.select %eq3A_3, %jit3A, %jit3A_4 : i32
    %add3A_5 = arith.addi %mul3A_2, %select_n3A : i32
    "tpu.region"() ({
      %run_scoped3A = tpu.sem_alloc : memref<!tpu.dma_semaphore, #tpu.memory_space<semaphore_mem>>
      %dma_start3A = arith.constant 0 : i32
      %dma_start3A_38 = tpu.memref_slice %arg4[%dma_start3A] : memref<100352xi32, #tpu.memory_space<vmem>> -> memref<100000xi32, #tpu.memory_space<vmem>>
      %dma_start3A_39 = arith.constant 0 : i32
      %dma_start3A_40 = tpu.memref_slice %arg4[%dma_start3A_39] : memref<100352xi32, #tpu.memory_space<vmem>> -> memref<100000xi32, #tpu.memory_space<vmem>>
      tpu.enqueue_dma source(%arg2 : memref<100000xi32, #tpu.memory_space<hbm>>) target(%dma_start3A_40 : memref<100000xi32, #tpu.memory_space<vmem>>) target_semaphore(%run_scoped3A : memref<!tpu.dma_semaphore, #tpu.memory_space<semaphore_mem>>)
      %dma_wait3A = arith.constant 0 : i32
      %dma_wait3A_41 = tpu.memref_slice %arg4[%dma_wait3A] : memref<100352xi32, #tpu.memory_space<vmem>> -> memref<100000xi32, #tpu.memory_space<vmem>>
      %dma_wait3A_42 = arith.constant 0 : i32
      %dma_wait3A_43 = tpu.memref_slice %arg4[%dma_wait3A_42] : memref<100352xi32, #tpu.memory_space<vmem>> -> memref<100000xi32, #tpu.memory_space<vmem>>
      tpu.wait_dma2 semaphore(%run_scoped3A : memref<!tpu.dma_semaphore, #tpu.memory_space<semaphore_mem>>) src(%arg2 : memref<100000xi32, #tpu.memory_space<hbm>>) dst(%dma_wait3A_43 : memref<100000xi32, #tpu.memory_space<vmem>>)
      tpu.yield
    }) : () -> ()
    %iota3A = tpu.iota {dimensions = array<i32: 0>} : vector<16xi32>
    %get3A = arith.index_cast %mul3A_2 : i32 to index
    %get3A_6 = tpu.vector_load %arg4[%get3A] {strides = array<i32>} : memref<100352xi32, #tpu.memory_space<vmem>>, vector<16xi32>,
    %get3A_7 = vector.shape_cast %get3A_6 : vector<16xi32> to vector<16xi32>
    %slice3A = vector.extract_strided_slice %get3A_7 {offsets = [0], sizes = [1], strides = [1]} : vector<16xi32> to vector<1xi32>
    %squeeze3A = vector.extract %slice3A[0] : i32 from vector<1xi32>
    %sub3A = arith.constant 1 : i32
    %sub3A_8 = arith.subi %add3A_5, %sub3A : i32
    %get3A_9 = arith.index_cast %sub3A_8 : i32 to index
    %get3A_10 = tpu.vector_load %arg4[%get3A_9] {strides = array<i32>} : memref<100352xi32, #tpu.memory_space<vmem>>, vector<16xi32>,
    %get3A_11 = vector.shape_cast %get3A_10 : vector<16xi32> to vector<16xi32>
    %slice3A_12 = vector.extract_strided_slice %get3A_11 {offsets = [0], sizes = [1], strides = [1]} : vector<16xi32> to vector<1xi32>
    %squeeze3A_13 = vector.extract %slice3A_12[0] : i32 from vector<1xi32>
    %add3A_14 = arith.constant 1 : i32
    %add3A_15 = arith.addi %squeeze3A_13, %add3A_14 : i32
    %scan3A = arith.constant 0 : i32
    %scan3A_16 = arith.constant 0 : i32
    %scan3A_17 = arith.constant 17 : i32
    %scan3A_18 = arith.addi %scan3A_16, %scan3A_17 : i32
    %scan3A_19 = arith.constant 1 : i32
    %scan3A_20 = scf.for %scan3A_38 = %scan3A_16 to %scan3A_18 step %scan3A_19 iter_args(%scan3A_39 = %scan3A) -> (i32)  : i32 {
      %shift_right_arithmetic3A = arith.constant 65536 : i32
      %shift_right_arithmetic3A_40 = arith.shrsi %shift_right_arithmetic3A, %scan3A_38 : i32
      %add3A_41 = arith.addi %scan3A_39, %shift_right_arithmetic3A_40 : i32
      %min3A = arith.constant 100000 : i32
      %min3A_42 = arith.minsi %add3A_41, %min3A : i32
      %sub3A_43 = arith.constant 1 : i32
      %sub3A_44 = arith.subi %min3A_42, %sub3A_43 : i32
      %get3A_45 = arith.index_cast %sub3A_44 : i32 to index
      %get3A_46 = tpu.vector_load %arg4[%get3A_45] {strides = array<i32>} : memref<100352xi32, #tpu.memory_space<vmem>>, vector<16xi32>,
      %get3A_47 = vector.shape_cast %get3A_46 : vector<16xi32> to vector<16xi32>
      %slice3A_48 = vector.extract_strided_slice %get3A_47 {offsets = [0], sizes = [1], strides = [1]} : vector<16xi32> to vector<1xi32>
      %squeeze3A_49 = vector.extract %slice3A_48[0] : i32 from vector<1xi32>
      %le3A = arith.constant 100000 : i32
      %le3A_50 = arith.cmpi sle, %add3A_41, %le3A : i32
      %lt3A_51 = arith.cmpi slt, %squeeze3A_49, %squeeze3A : i32
      %and3A = arith.andi %le3A_50, %lt3A_51 : i1
      %select_n3A_52 = arith.select %and3A, %add3A_41, %scan3A_39 : i32
      scf.yield %select_n3A_52 : i32
    }
    %scan3A_21 = arith.constant 17 : i32
    %while3A = arith.subi %add3A_15, %squeeze3A : i32
    %while3A_22 = arith.addi %squeeze3A, %while3A : i32
    %while3A_23 = arith.constant 1 : i32
    %while3A_24 = arith.divsi %while3A, %while3A_23 : i32
    %while3A_25 = arith.muli %while3A_24, %while3A_23 : i32
    %while3A_26 = arith.addi %squeeze3A, %while3A_25 : i32
    %while3A_27 = arith.constant 1 : i32
    %while3A_28 = scf.for %while3A_38 = %squeeze3A to %while3A_26 step %while3A_27 iter_args(%while3A_39 = %scan3A_20) -> (i32)  : i32 {
      %add3A_40 = arith.constant 1 : i32
      %add3A_41 = arith.addi %while3A_38, %add3A_40 : i32
      %scan3A_42 = arith.constant 0 : i32
      %scan3A_43 = arith.constant 0 : i32
      %scan3A_44 = arith.constant 17 : i32
      %scan3A_45 = arith.addi %scan3A_43, %scan3A_44 : i32
      %scan3A_46 = arith.constant 1 : i32
      %scan3A_47 = scf.for %scan3A_107 = %scan3A_43 to %scan3A_45 step %scan3A_46 iter_args(%scan3A_108 = %scan3A_42) -> (i32)  : i32 {
        %shift_right_arithmetic3A = arith.constant 65536 : i32
        %shift_right_arithmetic3A_109 = arith.shrsi %shift_right_arithmetic3A, %scan3A_107 : i32
        %add3A_110 = arith.addi %scan3A_108, %shift_right_arithmetic3A_109 : i32
        %min3A_111 = arith.constant 100000 : i32
        %min3A_112 = arith.minsi %add3A_110, %min3A_111 : i32
        %sub3A_113 = arith.constant 1 : i32
        %sub3A_114 = arith.subi %min3A_112, %sub3A_113 : i32
        %get3A_115 = arith.index_cast %sub3A_114 : i32 to index
        %get3A_116 = tpu.vector_load %arg4[%get3A_115] {strides = array<i32>} : memref<100352xi32, #tpu.memory_space<vmem>>, vector<16xi32>,
        %get3A_117 = vector.shape_cast %get3A_116 : vector<16xi32> to vector<16xi32>
        %slice3A_118 = vector.extract_strided_slice %get3A_117 {offsets = [0], sizes = [1], strides = [1]} : vector<16xi32> to vector<1xi32>
        %squeeze3A_119 = vector.extract %slice3A_118[0] : i32 from vector<1xi32>
        %le3A = arith.constant 100000 : i32
        %le3A_120 = arith.cmpi sle, %add3A_110, %le3A : i32
        %lt3A_121 = arith.cmpi slt, %squeeze3A_119, %add3A_41 : i32
        %and3A_122 = arith.andi %le3A_120, %lt3A_121 : i1
        %select_n3A_123 = arith.select %and3A_122, %add3A_110, %scan3A_108 : i32
        scf.yield %select_n3A_123 : i32
      }
      %scan3A_48 = arith.constant 17 : i32
      %sub3A_49 = arith.subi %scan3A_47, %while3A_39 : i32
      %convert_element_type3A_50 = arith.sitofp %sub3A_49 : i32 to f32
      %max3A = arith.maxsi %while3A_39, %mul3A_2 : i32
      %sub3A_51 = arith.subi %max3A, %mul3A_2 : i32
      %min3A = arith.minsi %scan3A_47, %add3A_5 : i32
      %sub3A_52 = arith.subi %min3A, %mul3A_2 : i32
      %jit3A_53 = arith.constant 16 : i32
      %div3A = arith.divsi %sub3A_51, %jit3A_53 : i32
      %sign3A = arith.constant 0 : i32
      %sign3A_54 = arith.cmpi sgt, %sub3A_51, %sign3A : i32
      %sign3A_55 = arith.extui %sign3A_54 : i1 to i32
      %sign3A_56 = arith.constant 0 : i32
      %sign3A_57 = arith.cmpi slt, %sub3A_51, %sign3A_56 : i32
      %sign3A_58 = arith.extui %sign3A_57 : i1 to i32
      %sign3A_59 = arith.subi %sign3A_55, %sign3A_58 : i32
      %sign3A_60 = arith.constant 0 : i32
      %sign3A_61 = arith.cmpi sgt, %jit3A_53, %sign3A_60 : i32
      %sign3A_62 = arith.extui %sign3A_61 : i1 to i32
      %sign3A_63 = arith.constant 0 : i32
      %sign3A_64 = arith.cmpi slt, %jit3A_53, %sign3A_63 : i32
      %sign3A_65 = arith.extui %sign3A_64 : i1 to i32
      %sign3A_66 = arith.subi %sign3A_62, %sign3A_65 : i32
      %ne3A = arith.cmpi ne, %sign3A_59, %sign3A_66 : i32
      %rem3A = arith.remsi %sub3A_51, %jit3A_53 : i32
      %ne3A_67 = arith.constant 0 : i32
      %ne3A_68 = arith.cmpi ne, %rem3A, %ne3A_67 : i32
      %and3A = arith.andi %ne3A, %ne3A_68 : i1
      %sub3A_69 = arith.constant 1 : i32
      %sub3A_70 = arith.subi %div3A, %sub3A_69 : i32
      %select_n3A_71 = arith.select %and3A, %sub3A_70, %div3A : i32
      %add3A_72 = arith.constant 15 : i32
      %add3A_73 = arith.addi %sub3A_52, %add3A_72 : i32
      %jit3A_74 = arith.constant 16 : i32
      %div3A_75 = arith.divsi %add3A_73, %jit3A_74 : i32
      %sign3A_76 = arith.constant 0 : i32
      %sign3A_77 = arith.cmpi sgt, %add3A_73, %sign3A_76 : i32
      %sign3A_78 = arith.extui %sign3A_77 : i1 to i32
      %sign3A_79 = arith.constant 0 : i32
      %sign3A_80 = arith.cmpi slt, %add3A_73, %sign3A_79 : i32
      %sign3A_81 = arith.extui %sign3A_80 : i1 to i32
      %sign3A_82 = arith.subi %sign3A_78, %sign3A_81 : i32
      %sign3A_83 = arith.constant 0 : i32
      %sign3A_84 = arith.cmpi sgt, %jit3A_74, %sign3A_83 : i32
      %sign3A_85 = arith.extui %sign3A_84 : i1 to i32
      %sign3A_86 = arith.constant 0 : i32
      %sign3A_87 = arith.cmpi slt, %jit3A_74, %sign3A_86 : i32
      %sign3A_88 = arith.extui %sign3A_87 : i1 to i32
      %sign3A_89 = arith.subi %sign3A_85, %sign3A_88 : i32
      %ne3A_90 = arith.cmpi ne, %sign3A_82, %sign3A_89 : i32
      %rem3A_91 = arith.remsi %add3A_73, %jit3A_74 : i32
      %ne3A_92 = arith.constant 0 : i32
      %ne3A_93 = arith.cmpi ne, %rem3A_91, %ne3A_92 : i32
      %and3A_94 = arith.andi %ne3A_90, %ne3A_93 : i1
      %sub3A_95 = arith.constant 1 : i32
      %sub3A_96 = arith.subi %div3A_75, %sub3A_95 : i32
      %select_n3A_97 = arith.select %and3A_94, %sub3A_96, %div3A_75 : i32
      %while3A_98 = arith.constant 0 : i32
      %while3A_99 = arith.subi %select_n3A_97, %select_n3A_71 : i32
      %while3A_100 = arith.addi %select_n3A_71, %while3A_99 : i32
      %while3A_101 = arith.constant 1 : i32
      %while3A_102 = arith.divsi %while3A_99, %while3A_101 : i32
      %while3A_103 = arith.muli %while3A_102, %while3A_101 : i32
      %while3A_104 = arith.addi %select_n3A_71, %while3A_103 : i32
      %while3A_105 = arith.constant 1 : i32
      scf.for %while3A_107 = %select_n3A_71 to %while3A_104 step %while3A_105  : i32 {
        %mul3A_108 = arith.constant 16 : i32
        %mul3A_109 = arith.muli %mul3A_108, %while3A_107 : i32
        %add3A_110 = vector.broadcast %mul3A_109 : i32 to vector<16xi32>
        %add3A_111 = arith.addi %add3A_110, %iota3A : vector<16xi32>
        %mul3A_112 = arith.constant 16 : i32
        %mul3A_113 = arith.muli %mul3A_112, %while3A_107 : i32
        %get3A_114 = arith.index_cast %mul3A_113 : i32 to index
        %get3A_115 = tpu.vector_load %arg5[%get3A_114] {strides = array<i32>} : memref<3136xf32, #tpu.memory_space<vmem>>, vector<16xf32>,
        %get3A_116 = vector.shape_cast %get3A_115 : vector<16xf32> to vector<16xf32>
        %ge3A = vector.broadcast %sub3A_51 : i32 to vector<16xi32>
        %ge3A_117 = arith.cmpi sge, %add3A_111, %ge3A : vector<16xi32>
        %lt3A_118 = vector.broadcast %sub3A_52 : i32 to vector<16xi32>
        %lt3A_119 = arith.cmpi slt, %add3A_111, %lt3A_118 : vector<16xi32>
        %and3A_120 = arith.andi %ge3A_117, %lt3A_119 : vector<16xi1>
        %broadcast_in_dim3A = vector.broadcast %convert_element_type3A_50 : f32 to vector<16xf32>
        %select_n3A_121 = arith.select %and3A_120, %broadcast_in_dim3A, %get3A_116 : vector<16xi1>, vector<16xf32>
        %mul3A_122 = arith.constant 16 : i32
        %mul3A_123 = arith.muli %mul3A_122, %while3A_107 : i32
        %swap3A = arith.index_cast %mul3A_123 : i32 to index
        %swap3A_124 = tpu.vector_load %arg5[%swap3A] {strides = array<i32>} : memref<3136xf32, #tpu.memory_space<vmem>>, vector<16xf32>,
        %swap3A_125 = vector.shape_cast %swap3A_124 : vector<16xf32> to vector<16xf32>
        %swap3A_126 = vector.shape_cast %select_n3A_121 : vector<16xf32> to vector<16xf32>
        tpu.vector_store %arg5[%swap3A], %swap3A_126 {strides = array<i32>} : memref<3136xf32, #tpu.memory_space<vmem>>, vector<16xf32>,
      }
      %while3A_106 = arith.constant 1 : i32
      scf.for %while3A_107 = %while3A_104 to %while3A_100 step %while3A_106  : i32 {
        %mul3A_108 = arith.constant 16 : i32
        %mul3A_109 = arith.muli %mul3A_108, %while3A_107 : i32
        %add3A_110 = vector.broadcast %mul3A_109 : i32 to vector<16xi32>
        %add3A_111 = arith.addi %add3A_110, %iota3A : vector<16xi32>
        %mul3A_112 = arith.constant 16 : i32
        %mul3A_113 = arith.muli %mul3A_112, %while3A_107 : i32
        %get3A_114 = arith.index_cast %mul3A_113 : i32 to index
        %get3A_115 = tpu.vector_load %arg5[%get3A_114] {strides = array<i32>} : memref<3136xf32, #tpu.memory_space<vmem>>, vector<16xf32>,
        %get3A_116 = vector.shape_cast %get3A_115 : vector<16xf32> to vector<16xf32>
        %ge3A = vector.broadcast %sub3A_51 : i32 to vector<16xi32>
        %ge3A_117 = arith.cmpi sge, %add3A_111, %ge3A : vector<16xi32>
        %lt3A_118 = vector.broadcast %sub3A_52 : i32 to vector<16xi32>
        %lt3A_119 = arith.cmpi slt, %add3A_111, %lt3A_118 : vector<16xi32>
        %and3A_120 = arith.andi %ge3A_117, %lt3A_119 : vector<16xi1>
        %broadcast_in_dim3A = vector.broadcast %convert_element_type3A_50 : f32 to vector<16xf32>
        %select_n3A_121 = arith.select %and3A_120, %broadcast_in_dim3A, %get3A_116 : vector<16xi1>, vector<16xf32>
        %mul3A_122 = arith.constant 16 : i32
        %mul3A_123 = arith.muli %mul3A_122, %while3A_107 : i32
        %swap3A = arith.index_cast %mul3A_123 : i32 to index
        %swap3A_124 = tpu.vector_load %arg5[%swap3A] {strides = array<i32>} : memref<3136xf32, #tpu.memory_space<vmem>>, vector<16xf32>,
        %swap3A_125 = vector.shape_cast %swap3A_124 : vector<16xf32> to vector<16xf32>
        %swap3A_126 = vector.shape_cast %select_n3A_121 : vector<16xf32> to vector<16xf32>
        tpu.vector_store %arg5[%swap3A], %swap3A_126 {strides = array<i32>} : memref<3136xf32, #tpu.memory_space<vmem>>, vector<16xf32>,
      }
      scf.yield %scan3A_47 : i32
    }
    %while3A_29 = arith.constant 1 : i32
    %while3A_30 = scf.for %while3A_38 = %while3A_26 to %while3A_22 step %while3A_29 iter_args(%while3A_39 = %while3A_28) -> (i32)  : i32 {
      %add3A_40 = arith.constant 1 : i32
      %add3A_41 = arith.addi %while3A_38, %add3A_40 : i32
      %scan3A_42 = arith.constant 0 : i32
      %scan3A_43 = arith.constant 0 : i32
      %scan3A_44 = arith.constant 17 : i32
      %scan3A_45 = arith.addi %scan3A_43, %scan3A_44 : i32
      %scan3A_46 = arith.constant 1 : i32
      %scan3A_47 = scf.for %scan3A_107 = %scan3A_43 to %scan3A_45 step %scan3A_46 iter_args(%scan3A_108 = %scan3A_42) -> (i32)  : i32 {
        %shift_right_arithmetic3A = arith.constant 65536 : i32
        %shift_right_arithmetic3A_109 = arith.shrsi %shift_right_arithmetic3A, %scan3A_107 : i32
        %add3A_110 = arith.addi %scan3A_108, %shift_right_arithmetic3A_109 : i32
        %min3A_111 = arith.constant 100000 : i32
        %min3A_112 = arith.minsi %add3A_110, %min3A_111 : i32
        %sub3A_113 = arith.constant 1 : i32
        %sub3A_114 = arith.subi %min3A_112, %sub3A_113 : i32
        %get3A_115 = arith.index_cast %sub3A_114 : i32 to index
        %get3A_116 = tpu.vector_load %arg4[%get3A_115] {strides = array<i32>} : memref<100352xi32, #tpu.memory_space<vmem>>, vector<16xi32>,
        %get3A_117 = vector.shape_cast %get3A_116 : vector<16xi32> to vector<16xi32>
        %slice3A_118 = vector.extract_strided_slice %get3A_117 {offsets = [0], sizes = [1], strides = [1]} : vector<16xi32> to vector<1xi32>
        %squeeze3A_119 = vector.extract %slice3A_118[0] : i32 from vector<1xi32>
        %le3A = arith.constant 100000 : i32
        %le3A_120 = arith.cmpi sle, %add3A_110, %le3A : i32
        %lt3A_121 = arith.cmpi slt, %squeeze3A_119, %add3A_41 : i32
        %and3A_122 = arith.andi %le3A_120, %lt3A_121 : i1
        %select_n3A_123 = arith.select %and3A_122, %add3A_110, %scan3A_108 : i32
        scf.yield %select_n3A_123 : i32
      }
      %scan3A_48 = arith.constant 17 : i32
      %sub3A_49 = arith.subi %scan3A_47, %while3A_39 : i32
      %convert_element_type3A_50 = arith.sitofp %sub3A_49 : i32 to f32
      %max3A = arith.maxsi %while3A_39, %mul3A_2 : i32
      %sub3A_51 = arith.subi %max3A, %mul3A_2 : i32
      %min3A = arith.minsi %scan3A_47, %add3A_5 : i32
      %sub3A_52 = arith.subi %min3A, %mul3A_2 : i32
      %jit3A_53 = arith.constant 16 : i32
      %div3A = arith.divsi %sub3A_51, %jit3A_53 : i32
      %sign3A = arith.constant 0 : i32
      %sign3A_54 = arith.cmpi sgt, %sub3A_51, %sign3A : i32
      %sign3A_55 = arith.extui %sign3A_54 : i1 to i32
      %sign3A_56 = arith.constant 0 : i32
      %sign3A_57 = arith.cmpi slt, %sub3A_51, %sign3A_56 : i32
      %sign3A_58 = arith.extui %sign3A_57 : i1 to i32
      %sign3A_59 = arith.subi %sign3A_55, %sign3A_58 : i32
      %sign3A_60 = arith.constant 0 : i32
      %sign3A_61 = arith.cmpi sgt, %jit3A_53, %sign3A_60 : i32
      %sign3A_62 = arith.extui %sign3A_61 : i1 to i32
      %sign3A_63 = arith.constant 0 : i32
      %sign3A_64 = arith.cmpi slt, %jit3A_53, %sign3A_63 : i32
      %sign3A_65 = arith.extui %sign3A_64 : i1 to i32
      %sign3A_66 = arith.subi %sign3A_62, %sign3A_65 : i32
      %ne3A = arith.cmpi ne, %sign3A_59, %sign3A_66 : i32
      %rem3A = arith.remsi %sub3A_51, %jit3A_53 : i32
      %ne3A_67 = arith.constant 0 : i32
      %ne3A_68 = arith.cmpi ne, %rem3A, %ne3A_67 : i32
      %and3A = arith.andi %ne3A, %ne3A_68 : i1
      %sub3A_69 = arith.constant 1 : i32
      %sub3A_70 = arith.subi %div3A, %sub3A_69 : i32
      %select_n3A_71 = arith.select %and3A, %sub3A_70, %div3A : i32
      %add3A_72 = arith.constant 15 : i32
      %add3A_73 = arith.addi %sub3A_52, %add3A_72 : i32
      %jit3A_74 = arith.constant 16 : i32
      %div3A_75 = arith.divsi %add3A_73, %jit3A_74 : i32
      %sign3A_76 = arith.constant 0 : i32
      %sign3A_77 = arith.cmpi sgt, %add3A_73, %sign3A_76 : i32
      %sign3A_78 = arith.extui %sign3A_77 : i1 to i32
      %sign3A_79 = arith.constant 0 : i32
      %sign3A_80 = arith.cmpi slt, %add3A_73, %sign3A_79 : i32
      %sign3A_81 = arith.extui %sign3A_80 : i1 to i32
      %sign3A_82 = arith.subi %sign3A_78, %sign3A_81 : i32
      %sign3A_83 = arith.constant 0 : i32
      %sign3A_84 = arith.cmpi sgt, %jit3A_74, %sign3A_83 : i32
      %sign3A_85 = arith.extui %sign3A_84 : i1 to i32
      %sign3A_86 = arith.constant 0 : i32
      %sign3A_87 = arith.cmpi slt, %jit3A_74, %sign3A_86 : i32
      %sign3A_88 = arith.extui %sign3A_87 : i1 to i32
      %sign3A_89 = arith.subi %sign3A_85, %sign3A_88 : i32
      %ne3A_90 = arith.cmpi ne, %sign3A_82, %sign3A_89 : i32
      %rem3A_91 = arith.remsi %add3A_73, %jit3A_74 : i32
      %ne3A_92 = arith.constant 0 : i32
      %ne3A_93 = arith.cmpi ne, %rem3A_91, %ne3A_92 : i32
      %and3A_94 = arith.andi %ne3A_90, %ne3A_93 : i1
      %sub3A_95 = arith.constant 1 : i32
      %sub3A_96 = arith.subi %div3A_75, %sub3A_95 : i32
      %select_n3A_97 = arith.select %and3A_94, %sub3A_96, %div3A_75 : i32
      %while3A_98 = arith.constant 0 : i32
      %while3A_99 = arith.subi %select_n3A_97, %select_n3A_71 : i32
      %while3A_100 = arith.addi %select_n3A_71, %while3A_99 : i32
      %while3A_101 = arith.constant 1 : i32
      %while3A_102 = arith.divsi %while3A_99, %while3A_101 : i32
      %while3A_103 = arith.muli %while3A_102, %while3A_101 : i32
      %while3A_104 = arith.addi %select_n3A_71, %while3A_103 : i32
      %while3A_105 = arith.constant 1 : i32
      scf.for %while3A_107 = %select_n3A_71 to %while3A_104 step %while3A_105  : i32 {
        %mul3A_108 = arith.constant 16 : i32
        %mul3A_109 = arith.muli %mul3A_108, %while3A_107 : i32
        %add3A_110 = vector.broadcast %mul3A_109 : i32 to vector<16xi32>
        %add3A_111 = arith.addi %add3A_110, %iota3A : vector<16xi32>
        %mul3A_112 = arith.constant 16 : i32
        %mul3A_113 = arith.muli %mul3A_112, %while3A_107 : i32
        %get3A_114 = arith.index_cast %mul3A_113 : i32 to index
        %get3A_115 = tpu.vector_load %arg5[%get3A_114] {strides = array<i32>} : memref<3136xf32, #tpu.memory_space<vmem>>, vector<16xf32>,
        %get3A_116 = vector.shape_cast %get3A_115 : vector<16xf32> to vector<16xf32>
        %ge3A = vector.broadcast %sub3A_51 : i32 to vector<16xi32>
        %ge3A_117 = arith.cmpi sge, %add3A_111, %ge3A : vector<16xi32>
        %lt3A_118 = vector.broadcast %sub3A_52 : i32 to vector<16xi32>
        %lt3A_119 = arith.cmpi slt, %add3A_111, %lt3A_118 : vector<16xi32>
        %and3A_120 = arith.andi %ge3A_117, %lt3A_119 : vector<16xi1>
        %broadcast_in_dim3A = vector.broadcast %convert_element_type3A_50 : f32 to vector<16xf32>
        %select_n3A_121 = arith.select %and3A_120, %broadcast_in_dim3A, %get3A_116 : vector<16xi1>, vector<16xf32>
        %mul3A_122 = arith.constant 16 : i32
        %mul3A_123 = arith.muli %mul3A_122, %while3A_107 : i32
        %swap3A = arith.index_cast %mul3A_123 : i32 to index
        %swap3A_124 = tpu.vector_load %arg5[%swap3A] {strides = array<i32>} : memref<3136xf32, #tpu.memory_space<vmem>>, vector<16xf32>,
        %swap3A_125 = vector.shape_cast %swap3A_124 : vector<16xf32> to vector<16xf32>
        %swap3A_126 = vector.shape_cast %select_n3A_121 : vector<16xf32> to vector<16xf32>
        tpu.vector_store %arg5[%swap3A], %swap3A_126 {strides = array<i32>} : memref<3136xf32, #tpu.memory_space<vmem>>, vector<16xf32>,
      }
      %while3A_106 = arith.constant 1 : i32
      scf.for %while3A_107 = %while3A_104 to %while3A_100 step %while3A_106  : i32 {
        %mul3A_108 = arith.constant 16 : i32
        %mul3A_109 = arith.muli %mul3A_108, %while3A_107 : i32
        %add3A_110 = vector.broadcast %mul3A_109 : i32 to vector<16xi32>
        %add3A_111 = arith.addi %add3A_110, %iota3A : vector<16xi32>
        %mul3A_112 = arith.constant 16 : i32
        %mul3A_113 = arith.muli %mul3A_112, %while3A_107 : i32
        %get3A_114 = arith.index_cast %mul3A_113 : i32 to index
        %get3A_115 = tpu.vector_load %arg5[%get3A_114] {strides = array<i32>} : memref<3136xf32, #tpu.memory_space<vmem>>, vector<16xf32>,
        %get3A_116 = vector.shape_cast %get3A_115 : vector<16xf32> to vector<16xf32>
        %ge3A = vector.broadcast %sub3A_51 : i32 to vector<16xi32>
        %ge3A_117 = arith.cmpi sge, %add3A_111, %ge3A : vector<16xi32>
        %lt3A_118 = vector.broadcast %sub3A_52 : i32 to vector<16xi32>
        %lt3A_119 = arith.cmpi slt, %add3A_111, %lt3A_118 : vector<16xi32>
        %and3A_120 = arith.andi %ge3A_117, %lt3A_119 : vector<16xi1>
        %broadcast_in_dim3A = vector.broadcast %convert_element_type3A_50 : f32 to vector<16xf32>
        %select_n3A_121 = arith.select %and3A_120, %broadcast_in_dim3A, %get3A_116 : vector<16xi1>, vector<16xf32>
        %mul3A_122 = arith.constant 16 : i32
        %mul3A_123 = arith.muli %mul3A_122, %while3A_107 : i32
        %swap3A = arith.index_cast %mul3A_123 : i32 to index
        %swap3A_124 = tpu.vector_load %arg5[%swap3A] {strides = array<i32>} : memref<3136xf32, #tpu.memory_space<vmem>>, vector<16xf32>,
        %swap3A_125 = vector.shape_cast %swap3A_124 : vector<16xf32> to vector<16xf32>
        %swap3A_126 = vector.shape_cast %select_n3A_121 : vector<16xf32> to vector<16xf32>
        tpu.vector_store %arg5[%swap3A], %swap3A_126 {strides = array<i32>} : memref<3136xf32, #tpu.memory_space<vmem>>, vector<16xf32>,
      }
      scf.yield %scan3A_47 : i32
    }
    %lt3A = arith.constant 31 : i32
    %lt3A_31 = arith.cmpi slt, %add3A, %lt3A : i32
    %convert_element_type3A = arith.extui %lt3A_31 : i1 to i32
    %cond3A = arith.constant 0 : i32
    %cond3A_32 = arith.cmpi ne, %convert_element_type3A, %cond3A : i32
    scf.if %cond3A_32 {
      "tpu.region"() ({
        %run_scoped3A = tpu.sem_alloc : memref<!tpu.dma_semaphore, #tpu.memory_space<semaphore_mem>>
        %dma_start3A = tpu.memref_slice %arg3[%mul3A_2] : memref<100000xf32, #tpu.memory_space<hbm>> -> memref<3136xf32, #tpu.memory_space<hbm>>
        %dma_start3A_38 = tpu.memref_slice %arg3[%mul3A_2] : memref<100000xf32, #tpu.memory_space<hbm>> -> memref<3136xf32, #tpu.memory_space<hbm>>
        tpu.enqueue_dma source(%arg5 : memref<3136xf32, #tpu.memory_space<vmem>>) target(%dma_start3A_38 : memref<3136xf32, #tpu.memory_space<hbm>>) target_semaphore(%run_scoped3A : memref<!tpu.dma_semaphore, #tpu.memory_space<semaphore_mem>>)
        %dma_wait3A = tpu.memref_slice %arg3[%mul3A_2] : memref<100000xf32, #tpu.memory_space<hbm>> -> memref<3136xf32, #tpu.memory_space<hbm>>
        %dma_wait3A_39 = tpu.memref_slice %arg3[%mul3A_2] : memref<100000xf32, #tpu.memory_space<hbm>> -> memref<3136xf32, #tpu.memory_space<hbm>>
        tpu.wait_dma2 semaphore(%run_scoped3A : memref<!tpu.dma_semaphore, #tpu.memory_space<semaphore_mem>>) src(%arg5 : memref<3136xf32, #tpu.memory_space<vmem>>) dst(%dma_wait3A_39 : memref<3136xf32, #tpu.memory_space<hbm>>)
        tpu.yield
      }) : () -> ()
    } else {
    }
    %eq3A_33 = arith.constant 31 : i32
    %eq3A_34 = arith.cmpi eq, %add3A, %eq3A_33 : i32
    %convert_element_type3A_35 = arith.extui %eq3A_34 : i1 to i32
    %cond3A_36 = arith.constant 0 : i32
    %cond3A_37 = arith.cmpi ne, %convert_element_type3A_35, %cond3A_36 : i32
    scf.if %cond3A_37 {
      "tpu.region"() ({
        %run_scoped3A = tpu.sem_alloc : memref<!tpu.dma_semaphore, #tpu.memory_space<semaphore_mem>>
        %dma_start3A = arith.constant 0 : i32
        %dma_start3A_38 = tpu.memref_slice %arg5[%dma_start3A] : memref<3136xf32, #tpu.memory_space<vmem>> -> memref<2784xf32, #tpu.memory_space<vmem>>
        %dma_start3A_39 = tpu.memref_slice %arg3[%mul3A_2] : memref<100000xf32, #tpu.memory_space<hbm>> -> memref<2784xf32, #tpu.memory_space<hbm>>
        %dma_start3A_40 = tpu.memref_slice %arg3[%mul3A_2] : memref<100000xf32, #tpu.memory_space<hbm>> -> memref<2784xf32, #tpu.memory_space<hbm>>
        %dma_start3A_41 = arith.constant 0 : i32
        %dma_start3A_42 = tpu.memref_slice %arg5[%dma_start3A_41] : memref<3136xf32, #tpu.memory_space<vmem>> -> memref<2784xf32, #tpu.memory_space<vmem>>
        tpu.enqueue_dma source(%dma_start3A_42 : memref<2784xf32, #tpu.memory_space<vmem>>) target(%dma_start3A_40 : memref<2784xf32, #tpu.memory_space<hbm>>) target_semaphore(%run_scoped3A : memref<!tpu.dma_semaphore, #tpu.memory_space<semaphore_mem>>)
        %dma_wait3A = arith.constant 0 : i32
        %dma_wait3A_43 = tpu.memref_slice %arg5[%dma_wait3A] : memref<3136xf32, #tpu.memory_space<vmem>> -> memref<2784xf32, #tpu.memory_space<vmem>>
        %dma_wait3A_44 = tpu.memref_slice %arg3[%mul3A_2] : memref<100000xf32, #tpu.memory_space<hbm>> -> memref<2784xf32, #tpu.memory_space<hbm>>
        %dma_wait3A_45 = tpu.memref_slice %arg3[%mul3A_2] : memref<100000xf32, #tpu.memory_space<hbm>> -> memref<2784xf32, #tpu.memory_space<hbm>>
        %dma_wait3A_46 = arith.constant 0 : i32
        %dma_wait3A_47 = tpu.memref_slice %arg5[%dma_wait3A_46] : memref<3136xf32, #tpu.memory_space<vmem>> -> memref<2784xf32, #tpu.memory_space<vmem>>
        tpu.wait_dma2 semaphore(%run_scoped3A : memref<!tpu.dma_semaphore, #tpu.memory_space<semaphore_mem>>) src(%dma_wait3A_47 : memref<2784xf32, #tpu.memory_space<vmem>>) dst(%dma_wait3A_45 : memref<2784xf32, #tpu.memory_space<hbm>>)
        tpu.yield
      }) : () -> ()
    } else {
    }
    return
  }
}

module attributes {stable_mosaic.version = 14 : i64} {
  func.func @_tc_scale_body(%arg0: i32, %arg1: memref<2000x512xf32, #tpu.memory_space<vmem>>, %arg2: memref<2000x1xf32, #tpu.memory_space<vmem>>, %arg3: memref<2000x512xf32, #tpu.memory_space<vmem>>) attributes {dimension_semantics = [#tpu.dimension_semantics<arbitrary>], iteration_bounds = array<i64: 50>, scalar_prefetch = 0 : i64, scratch_operands = 0 : i64, tpu.core_type = #tpu.core_type<tc>, window_params = [{transform_indices = @transform_0, window_bounds = array<i64: 2000, 512>}, {transform_indices = @transform_1, window_bounds = array<i64: 2000, 1>}, {transform_indices = @transform_2, window_bounds = array<i64: 2000, 512>}]} {
    %get3A = arith.constant 0 : index
    %get3A_0 = arith.constant 0 : index
    %get3A_1 = vector.load %arg1[%get3A, %get3A_0] : memref<2000x512xf32, #tpu.memory_space<vmem>>, vector<2000x512xf32>
    %get3A_2 = arith.constant 0 : index
    %get3A_3 = arith.constant 0 : index
    %get3A_4 = vector.load %arg2[%get3A_2, %get3A_3] : memref<2000x1xf32, #tpu.memory_space<vmem>>, vector<2000x1xf32>
    %rsqrt3A = math.rsqrt %get3A_4 : vector<2000x1xf32>
    %mul3A = vector.broadcast %rsqrt3A : vector<2000x1xf32> to vector<2000x512xf32>
    %mul3A_5 = arith.mulf %get3A_1, %mul3A : vector<2000x512xf32>
    %swap3A = arith.constant 0 : index
    %swap3A_6 = arith.constant 0 : index
    %swap3A_7 = vector.load %arg3[%swap3A, %swap3A_6] : memref<2000x512xf32, #tpu.memory_space<vmem>>, vector<2000x512xf32>
    tpu.vector_store %arg3[%swap3A, %swap3A_6], %mul3A_5 {strides = array<i32>} : memref<2000x512xf32, #tpu.memory_space<vmem>>, vector<2000x512xf32>,
    return
  }
  func.func @transform_0(%arg0: i32) -> (i32, i32) {
    %c0_i32 = arith.constant 0 : i32
    %c0_i32_0 = arith.constant 0 : i32
    return %arg0, %c0_i32 : i32, i32
  }
  func.func @transform_1(%arg0: i32) -> (i32, i32) {
    %c0_i32 = arith.constant 0 : i32
    %c0_i32_0 = arith.constant 0 : i32
    return %arg0, %c0_i32 : i32, i32
  }
  func.func @transform_2(%arg0: i32) -> (i32, i32) {
    %c0_i32 = arith.constant 0 : i32
    %c0_i32_0 = arith.constant 0 : i32
    return %arg0, %c0_i32 : i32, i32
  }
}

</mosaic_0001>

<sc_bundles>
// kernel: kernel.4.cloned.1.call-start
scs
__scs_entry_jumppad:
0x0: {  	(pc) =	sbr.rel $0x88, $3  }
0x1: {  	(tag) =	ssettag $0x0;
	lr =	simm.s32 $0x1  }
0x2: {  	[smem:$0x3F9F] =	sst lr;
	_ =	strace $0xD0000000  }
0x3: {  	_ = 	snop  }
0x4: {  	_ = 	snop  }
0x5: {  	_ = 	snop  }
0x6: {  	_ = 	snop  }
0x7: {  	_ = 	snop  }
__scs_overlays_trampoline_lowered:
0x8: {  	[smem:$0x3FAE] =	sst s0  }
0x9: {  	[smem:$0x3FAF] =	sst s1  }
0xa: {  	[smem:$0x3FB0] =	sst s2  }
0xb: {  	[smem:$0x3FB1] =	sst s3  }
0xc: {  	[smem:$0x3FB2] =	sst s4  }
0xd: {  	[smem:$0x3FB3] =	sst s5  }
0xe: {  	[smem:$0x3FB4] =	sst s6  }
0xf: {  	[smem:$0x3FB5] =	sst s7  }
0x10: {  	[smem:$0x3FB6] =	sst s8  }
0x11: {  	[smem:$0x3FB7] =	sst s9;
	s0 =	simm.s32 @!p0 $0x0  }
0x12: {  	s1 =	sld [smem:$0x3F9D];
	s0 =	simm.s32 @p0 $0x1  }
0x13: {  	[smem:$0x3FB8] =	sst s0;
	s0 =	simm.s32 @!p1 $0x0  }
0x14: {  	s2 =	sld [smem:$0x3F9C];
	s0 =	simm.s32 @p1 $0x1  }
0x15: {  	[smem:$0x3FB9] =	sst s0;
	s0 =	simm.s32 @!p2 $0x0  }
0x16: {  	s3 =	sld [smem:$0x3FDB];
	s0 =	simm.s32 @p2 $0x1  }
0x17: {  	s4 =	simm.s32 $0x1BF5;
	[smem:$0x3FBB] =	sst s0  }
0x18: {  	s0 =	sld [smem:$0x3F9E];
	_ =	swait.ge [sflag:s4], $0x0  }
0x19: {  	s7 =	sld [smem:$0x3F9F]  }
0x1a: {  	s8 =	sadd.s32 $0xFFFFE003, lr  }
0x1b: {  	s9 =	sadd.s32 $0xFFFFFEF7, lr;
	s5 =	simm.s32 $0xFFFFFFFF;
	p2 =	slt.u32 s8, $0xFFFFF086  }
0x1c: {  	p1 =	slt.u32 s9, $0xF7A;
	s5 =	simm.s32 @!p2 $0x0  }
0x1d: {  	s5 =	simm.s32 @p1 $0x1;
	p0 =	seq.s32 s7, s2  }
0x1e: {  	s7 =	smul.u32 @!p0 $0xF7A, s2;
	p2 =	seq.s32 @!p0 s5, $0x0  }
0x1f: {  	s9 =	smul.u32 $0xF7A, s1;
	s8 =	simm.s32 @!p0 $0x1BF5;
	p2 =	por !p2, p0  }
0x20: {  	[sflag:s8] =	ssyncset.s32 @!p0 $0xFFFFF086;
	s6 =	sadd.s32 @!p0 s3, s7;
	s7 =	simm.s32 @!p0 $0x108  }
0x21: {  	s3 =	sadd.s32 s3, s9;
	s6 =	sadd.s32 @!p0 $0x88, s6;
	s7 =	simm.s32 @p2 $0x1082  }
0x22: {  	[simem:s7], [sflag:s8] =	dma.local @!p0 [hbm:s6], $0xF7A  }
0x23: {  	s9 =	sor.u32 $0xD0000000, s2;
	s6 =	simm.s32 $0x108;
	_ =	swait.ge @!p0 [sflag:s8], $0x0  }
0x24: {  	s3 =	sadd.s32 $0x88, s3;
	s6 =	simm.s32 @!p1 $0x1082;
	[sflag:s4] =	ssyncset.s32 $0xFFFFF086  }
0x25: {  	[simem:s6], [sflag:s4] =	dma.local [hbm:s3], $0xF7A  }
0x26: {  	[smem:$0x3F9F] =	sst s1;
	(tag) =	ssettag s2;
	_ =	strace s9  }
0x27: {  	s1 =	sld [smem:$0x3FAF]  }
0x28: {  	s2 =	sld [smem:$0x3FB0]  }
0x29: {  	s4 =	sld [smem:$0x3FB2]  }
0x2a: {  	p0 =	seq.s32 s5, $0x0;
	s5 =	sld [smem:$0x3FB3]  }
0x2b: {  	s6 =	sld [smem:$0x3FB4]  }
0x2c: {  	s7 =	sld [smem:$0x3FB5]  }
0x2d: {  	s3 =	simm.s32 $0x108;
	s8 =	sld [smem:$0x3FB6]  }
0x2e: {  	s3 =	simm.s32 @!p0 $0x1082;
	s9 =	sld [smem:$0x3FB7]  }
0x2f: {  	lr =	sadd.s32 s0, s3;
	s0 =	sld [smem:$0x3FAE]  }
0x30: {  	s3 =	sld [smem:$0x3FB1]  }
0x31: {  	[smem:$0x3FBA] =	sst s10  }
0x32: {  	s10 =	sld [smem:$0x3FB8];
	_ =	sdelay $0x3  }
0x33: {  	p0 =	seq.s32 s10, $0x1;
	s10 =	sld [smem:$0x3FBA];
	_ =	sdelay $0x3  }
0x34: {  	[smem:$0x3FBA] =	sst s10  }
0x35: {  	s10 =	sld [smem:$0x3FB9];
	_ =	sdelay $0x3  }
0x36: {  	p1 =	seq.s32 s10, $0x1;
	s10 =	sld [smem:$0x3FBA];
	_ =	sdelay $0x3  }
0x37: {  	[smem:$0x3FBA] =	sst s10  }
0x38: {  	s10 =	sld [smem:$0x3FBB]  }
0x39: {  	_ = 	snop;
	(pc) =	sbr.ind lr, $3  }
0x3a: {  	_ = 	snop  }
0x3b: {  	_ = 	snop  }
0x3c: {  	p2 =	seq.s32 s10, $0x1;
	s10 =	sld [smem:$0x3FBA]  }
0x3d: {  	_ =	shalt  }
0x3e: {  	_ =	shalt  }
0x3f: {  	_ =	shalt  }
0x40: {  	_ =	shalt  }
0x41: {  	_ =	shalt  }
0x42: {  	_ =	shalt  }
0x43: {  	_ =	shalt  }
0x44: {  	_ =	shalt  }
0x45: {  	_ =	shalt  }
0x46: {  	_ =	shalt  }
0x47: {  	_ =	shalt  }
0x48: {  	_ =	shalt  }
0x49: {  	_ =	shalt  }
0x4a: {  	_ =	shalt  }
0x4b: {  	_ =	shalt  }
0x4c: {  	_ =	shalt  }
0x4d: {  	_ =	shalt  }
0x4e: {  	_ =	shalt  }
0x4f: {  	_ =	shalt  }
0x50: {  	_ =	shalt  }
0x51: {  	_ =	shalt  }
0x52: {  	_ =	shalt  }
0x53: {  	_ =	shalt  }
0x54: {  	_ =	shalt  }
0x55: {  	_ =	shalt  }
0x56: {  	_ =	shalt  }
0x57: {  	_ =	shalt  }
0x58: {  	_ =	shalt  }
0x59: {  	_ =	shalt  }
0x5a: {  	_ =	shalt  }
0x5b: {  	_ =	shalt  }
0x5c: {  	_ =	shalt  }
0x5d: {  	_ =	shalt  }
0x5e: {  	_ =	shalt  }
0x5f: {  	_ =	shalt  }
0x60: {  	_ =	shalt  }
0x61: {  	_ =	shalt  }
0x62: {  	_ =	shalt  }
0x63: {  	_ =	shalt  }
0x64: {  	_ =	shalt  }
0x65: {  	_ =	shalt  }
0x66: {  	_ =	shalt  }
0x67: {  	_ =	shalt  }
0x68: {  	_ =	shalt  }
0x69: {  	_ =	shalt  }
0x6a: {  	_ =	shalt  }
0x6b: {  	_ =	shalt  }
0x6c: {  	_ =	shalt  }
0x6d: {  	_ =	shalt  }
0x6e: {  	_ =	shalt  }
0x6f: {  	_ =	shalt  }
0x70: {  	_ =	shalt  }
0x71: {  	_ =	shalt  }
0x72: {  	_ =	shalt  }
0x73: {  	_ =	shalt  }
0x74: {  	_ =	shalt  }
0x75: {  	_ =	shalt  }
0x76: {  	_ =	shalt  }
0x77: {  	_ =	shalt  }
0x78: {  	_ =	shalt  }
0x79: {  	_ =	shalt  }
0x7a: {  	_ =	shalt  }
0x7b: {  	_ =	shalt  }
0x7c: {  	_ =	shalt  }
0x7d: {  	_ =	shalt  }
0x7e: {  	_ =	shalt  }
0x7f: {  	_ =	shalt  }
0x80: {  	_ =	shalt  }
0x81: {  	_ =	shalt  }
0x82: {  	_ =	shalt  }
0x83: {  	_ =	shalt  }
0x84: {  	_ =	shalt  }
0x85: {  	_ =	shalt  }
0x86: {  	_ =	shalt  }
0x87: {  	_ =	shalt  }
.Lfunc_end0:
.L_simem_size_0:
called_computation_lowered:
.L_overlay_start_0:
0x88: {  	s2 =	sld [smem:$0x3FD9]  }
0x89: {  	s3 =	sld [smem:$0x3FFE];
	_ =	sdelay $0x1  }
0x8a: {  	s1 =	srdreg.scid  }
0x8b: {  	s0 =	sand.u32 $0x1, s1  }
0x8c: {  	s18 =	sshll.u32 s0, $0xA;
	s2 =	sadd.s32 s3, s2  }
0x8d: {  	s2 =	sadd.s32 s2, s18  }
0x8e: {  	[smem:$0x3FC6] =	sst s2  }
0x8f: {  	_ = 	snop  }
0x90: {  	s2 =	sld [smem:$0x3FC8]  }
0x91: {  	s19 =	sld [smem:$0x3FD0];
	(tm) =	ssettm $0x1  }
0x92: {  	s4 =	sld [smem:$0x3FFB];
	_ =	sdelay $0x3  }
0x93: {  	_ =	strace s4  }
0x94: {  	s4 =	sld [smem:$0x3FFC];
	_ =	sdelay $0x3  }
0x95: {  	_ =	strace s4  }
0x96: {  	s4 =	sld [smem:$0x3FFD];
	_ =	sdelay $0x3  }
0x97: {  	_ =	strace s4  }
0x98: {  	_ =	strace $0x8FFFFFFF  }
0x99: {  	s20 =	sld [smem:$0x3FDB];
	_ =	sdelay $0x1  }
0x9a: {  	s5 =	simm.s32 $_scs_section_size  }
0x9b: {  	s6 =	simm.s32 $_size__tile_overlayer_lowered;
	s7 =	simm.s32 $_tile_overlayer_lowered  }
0x9c: {  	s23 =	simm.s32 $0x1BFF;
	s22 =	sshll.u32 s7, $0x1;
	s4 =	sadd.s32 s5, s20  }
0x9d: {  	s8 =	simm.s32 $0x0;
	s21 =	sshll.u32 s6, $0x1;
	s6 =	sadd.s32 s22, s4  }
0x9e: {  	[timem:s8], [sflag:s23] =	dma.local [hbm:s6], s21  }
0x9f: {  	_ =	swait.ge [sflag:s23], s21  }
0xa0: {  	s5 =	ssub.s32 $0x0, s21;
	[sflag:s23] =	ssyncset.done $0x0  }
0xa1: {  	[sflag:s23] =	ssyncadd.s32 s5;
	_ =	sdelay $0x1  }
0xa2: {  	s24 =	simm.s32 $0x1B8B  }
0xa3: {  	_ =	swait.ge [sflag:s24], $0x1  }
0xa4: {  	[sflag:s24] =	ssyncset.done $0x0  }
0xa5: {  	s25 =	simm.s32 $0x1B8E;
	[sflag:s24] =	ssyncadd.s32 $0xFFFFFFFF  }
0xa6: {  	s26 =	simm.s32 $execute0_lowered;
	[smem:$0x3FD2] =	sst s25  }
0xa7: {  	s5 =	sshll.u32 s26, $0x1;
	_ =	strace $0x80000046;
	[dreg:$0x1] =	wrdreg $0xFFFFFFFF  }
0xa8: {  	s28 =	simm.s32 $_size_execute0_lowered;
	s4 =	sadd.s32 s4, s5;
	[dreg:$0x0] =	wrdreg $0x0  }
0xa9: {  	s5 =	sshll.u32 s28, $0x1;
	[dreg:$0x2] =	wrdreg s4  }
0xaa: {  	[dreg:$0x3] =	wrdreg s5  }
0xab: {  	[dreg:$0x4] =	wrdreg $0xC0  }
0xac: {  	_ =	task [dreg:s8], $0x5FFFF  }
0xad: {  	[dreg:$0x1] =	wrdreg $0xFFFFFFFF  }
0xae: {  	[dreg:$0x0] =	wrdreg $0x60  }
0xaf: {  	[dreg:$0x2] =	wrdreg s2  }
0xb0: {  	[dreg:$0x3] =	wrdreg s19  }
0xb1: {  	[dreg:$0x4] =	wrdreg $0x9  }
0xb2: {  	_ =	task.clear_ibuf [dreg:s8], $0x5FFFF;
	_ =	strace $0x90000046  }
0xb3: {  	s29 =	simm.s32 $0x9;
	_ =	strace $0x80000048  }
0xb4: {  	_ =	swait.ge [sflag:s29], $0x1  }
0xb5: {  	[sflag:s29] =	ssyncadd.s32 $0xFFFFFFFF  }
0xb6: {  	_ =	strace $0x90000048  }
0xb7: {  	_ =	sfence  }
0xb8: {  	s30 =	sld [smem:$0x0];
	_ =	sdelay $0x2  }
0xb9: {  	s31 =	sshll.u32 s1, $0xD;
	s1 =	sshrl.u32 s1, $0x2  }
0xba: {  	s3 =	sand.u32 $0x4000, s31;
	s1 =	sadd.s32 s1, s30  }
0xbb: {  	s0 =	sor.u32 s3, s0;
	s1 =	sshll.u32 s1, $0x11  }
0xbc: {  	s0 =	sor.u32 s1, s0  }
0xbd: {  	s0 =	sadd.s32 $0x8F2B, s0  }
0xbe: {  	[sflag:s0] =	ssyncadd.remote.s32 $0x1  }
0xbf: {  	_ =	sfence.sel $0xFFFF  }
0xc0: {  	[dreg:$0x0] =	wrdreg $0xFFFFFFFF;
	(pc) =	sbr.abs _section_cstart, $3  }
0xc1: {  	[dreg:$0x1] =	wrdreg $0xFFFFFFFF  }
0xc2: {  	_ =	task.clear_ibuf [dreg:s8], $0x2FFFF;
	_ =	strace $0x9FFFFFFF  }
0xc3: {  	(tm) =	ssettm $0x7FFFFFFF  }
tec
execute0_lowered:
.L_overlay_start_1:
0x0: {  	(tag) =	ssettag $0x1  }
0x1: {  	s2 =	rddreg [dreg:$0x0]  }
0x2: {  	s7 =	rddreg [dreg:$0x1]  }
0x3: {  	s0 =	rddreg [dreg:$0x2]  }
0x4: {  	s4 =	srdreg.scid;
	s1 =	stileid.u32;
	s3 =	simm.s32 $0x0  }
0x5: {  	s9 =	simm.s32 $0x1;
	s10 =	simm.s32 $0x10000;
	s11 =	simm.s32 $0x0  }
0x6: {  	s4 =	sand.u32 $0x1, s4;
	s5 =	sshll.u32 s1, $0x1;
	[smem:$0x7FF] =	sst s3  }
.Ltmp0:
0x7: {  	s6 =	ssub.s32 $0x2, s4;
	s5 =	sor.u32 s4, s5;
	(pc) =	sbr.rel .LBB2_1-.Ltmp0, $4  }
0x8: {  	s4 =	smul.u32 $0xC40, s5;
	p0 =	seq.s32 s5, $0x1F;
	s5 =	simm.s32 $0xAE0  }
0x9: {  	_ =	strace $0x80000047;
	s8 =	sshrl.u32 s6, $0x1;
	s5 =	simm.s32 @!p0 $0xC40  }
0xa: {  	s8 =	ssub.s32 s6, s8;
	s5 =	sadd.s32 s4, s5;
	s31 =	sshrl.u32 s4, $0x3  }
0xb: {  	v0 =	vlaneseq.u32;
	s8 =	smax.u32 s8, $0x1;
	s6 =	sadd.s32 s7, s31;
	s7 =	sadd.s32 $0x2F78, s7  }
.LBB2_4:
0xc: {  	s12 =	simm.s32 @p0 $0x0;
	s13 =	simm.s32 @p0 $0x18800  }
0xd: {  	[hbm4b:s7+s12] =	stream.linear.scatter @p0 [tilespmem:s13], [sflag:$0x1], $0xAE0, $0x38;
	[tilespmem:$0x19480] =	vst v63  }
0xe: {  	s12 =	simm.s32 @p0 $0x1  }
0xf: {  	_ =	swait.ge @p0 [sflag:s12], $0xAE0  }
0x10: {  	s11 =	sadd.s32 $0x1, s11;
	s13 =	simm.s32 @!p0 $0x18800;
	[sflag:s12] =	ssyncset.done @p0 $0x0  }
0x11: {  	p1 =	sne.s32 s11, s8;
	[sflag:s12] =	ssyncadd.s32 @p0 $0xFFFFF520;
	s12 =	simm.s32 @!p0 $0x0  }
0x12: {  	[hbm4b:s6+s12] =	stream.linear.scatter @!p0 [tilespmem:s13], [sflag:$0x1], $0xC40, $0x38;
	[tilespmem:$0x19480] =	vst v63  }
.Ltmp1:
0x13: {  	_ = 	snop;
	(pc) =	sbr.rel @!p1 .LBB2_5-.Ltmp1, $4  }
0x14: {  	s12 =	simm.s32 @!p0 $0x1  }
0x15: {  	_ =	swait.ge @!p0 [sflag:s12], $0xC40  }
0x16: {  	[sflag:s12] =	ssyncset.done @!p0 $0x0  }
0x17: {  	[sflag:s12] =	ssyncadd.s32 @!p0 $0xFFFFF3C0  }
.LBB2_1:
0x18: {  	[tilespmem:s3], [sflag:$0x1] =	stream.linear.gather [hbm4b:s2+s3], $0x186A0, $0x38;
	[tilespmem:$0x19480] =	vst v63  }
0x19: {  	_ =	swait.ge [sflag:s9], $0x186A0  }
0x1a: {  	[sflag:s9] =	ssyncset.done $0x0  }
0x1b: {  	[sflag:s9] =	ssyncadd.s32 $0xFFFE7960  }
0x1c: {  	v1 =	vld [tilespmem:s4+$0x0];
	_ =	sdelay $0x4  }
0x1d: {  	(v2sf) =	vpush v1, $0x0;
	_ =	sdelay $0xd  }
0x1e: {  	s15 =	simm.s32 $0x10000  }
0x1f: {  	s14 =	simm.s32 $0x1;
	s13 =	simm.s32 $0x0;
	v1 =	vld [tilespmem:s5+$0xFFFFFFFF];
	s12 =	spop (v2sf)  }
.LBB2_2:
0x20: {  	p1 =	seq.s32 s14, $0x10;
	s15 =	sadd.s32 s15, s13  }
0x21: {  	p3 =	slt.s32 s15, $0x186A0;
	p2 =	slt.s32 s15, $0x186A1;
	s16 =	smov.u32 s15  }
0x22: {  	s16 =	simm.s32 @!p3 $0x186A0  }
0x23: {  	v2 =	vld [tilespmem:s16+$0xFFFFFFFF];
	_ =	sdelay $0x4  }
0x24: {  	(v2sf) =	vpush v2, $0x0;
	_ =	sdelay $0xd  }
.Ltmp2:
0x25: {  	(pc) =	sbr.rel @!p1 .LBB2_2-.Ltmp2, $4  }
0x26: {  	s16 =	spop (v2sf)  }
0x27: {  	p3 =	slt.s32 s16, s12;
	s16 =	smov.u32 s13  }
0x28: {  	s16 =	smov.u32 @p3 s15  }
0x29: {  	s15 =	sshrl.u32 s10, s14;
	s14 =	sadd.s32 $0x1, s14;
	s13 =	smov.u32 @p2 s16  }
0x2a: {  	s14 =	sadd.s32 s15, s13  }
0x2b: {  	p1 =	slt.s32 s14, $0x186A0;
	s15 =	smov.u32 s14  }
0x2c: {  	s15 =	simm.s32 @!p1 $0x186A0  }
0x2d: {  	v2 =	vld [tilespmem:s15+$0xFFFFFFFF];
	_ =	sdelay $0x4  }
0x2e: {  	(v2sf) =	vpush v2, $0x0;
	_ =	sdelay $0xe  }
0x2f: {  	s30 =	spop (v2sf);
	(v2sf) =	vpush v1, $0x0;
	_ =	sdelay $0xd  }
0x30: {  	s15 =	smov.u32 s13;
	p1 =	slt.s32 s30, s12  }
0x31: {  	p2 =	slt.s32 s14, $0x186A1;
	s15 =	smov.u32 @p1 s14;
	s14 =	spop (v2sf)  }
0x32: {  	s31 =	sadd.s32 $0x1, s14  }
0x33: {  	p1 =	slt.s32 s12, s31  }
.Ltmp3:
0x34: {  	_ = 	snop;
	(pc) =	sbr.rel @p1 .LBB2_7-.Ltmp3, $4  }
.Ltmp4:
0x35: {  	_ = 	snop;
	(pc) =	sbr.rel @!p1 .LBB2_4-.Ltmp4, $4  }
0x36: {  	_ = 	snop  }
0x37: {  	_ = 	snop  }
0x38: {  	s13 =	smov.u32 @p2 s15  }
0x39: {  	_ = 	snop  }
.LBB2_6:
0x3a: {  	p1 =	seq.s32 s12, s14  }
.Ltmp5:
0x3b: {  	_ = 	snop;
	(pc) =	sbr.rel @p1 .LBB2_4-.Ltmp5, $3  }
0x3c: {  	_ =	sdelay $0x1  }
0x3d: {  	s15 =	sadd.s32 $0x1, s12  }
0x3e: {  	s12 =	smov.u32 s15  }
.LBB2_7:
0x3f: {  	s15 =	smov.u32 s13  }
0x40: {  	s13 =	simm.s32 $0x0;
	s17 =	simm.s32 $0x10000;
	s16 =	simm.s32 $0x1  }
.LBB2_8:
0x41: {  	p1 =	sne.s32 s16, $0x10;
	s17 =	sadd.s32 s17, s13  }
0x42: {  	p3 =	slt.s32 s17, $0x186A0;
	p2 =	slt.s32 s17, $0x186A1;
	s18 =	smov.u32 s17  }
0x43: {  	s18 =	simm.s32 @!p3 $0x186A0  }
0x44: {  	v1 =	vld [tilespmem:s18+$0xFFFFFFFF];
	_ =	sdelay $0x4  }
0x45: {  	(v2sf) =	vpush v1, $0x0;
	_ =	sdelay $0xd  }
.Ltmp6:
0x46: {  	(pc) =	sbr.rel @p1 .LBB2_8-.Ltmp6, $4  }
0x47: {  	s18 =	spop (v2sf)  }
0x48: {  	p3 =	sle.s32 s18, s12;
	s18 =	smov.u32 s13  }
0x49: {  	s18 =	smov.u32 @p3 s17  }
0x4a: {  	s17 =	sshrl.u32 s10, s16;
	s16 =	sadd.s32 $0x1, s16;
	s13 =	smov.u32 @p2 s18  }
0x4b: {  	s16 =	sadd.s32 s17, s13  }
0x4c: {  	p1 =	slt.s32 s16, $0x186A0;
	s17 =	smov.u32 s16  }
0x4d: {  	s17 =	simm.s32 @!p1 $0x186A0  }
0x4e: {  	v1 =	vld [tilespmem:s17+$0xFFFFFFFF];
	_ =	sdelay $0x4  }
0x4f: {  	(v2sf) =	vpush v1, $0x0;
	_ =	sdelay $0xe  }
0x50: {  	s18 =	smov.u32 s5;
	s26 =	spop (v2sf)  }
0x51: {  	p2 =	slt.s32 s16, $0x186A1;
	s17 =	smov.u32 s13;
	p1 =	sle.s32 s26, s12  }
0x52: {  	s17 =	smov.u32 @p1 s16;
	p1 =	sgt.s32 s15, s4;
	s16 =	smov.u32 s4  }
0x53: {  	s21 =	simm.s32 $0x1;
	s13 =	smov.u32 @p2 s17;
	s16 =	smov.u32 @p1 s15  }
0x54: {  	s17 =	ssub.s32 s16, s4;
	p1 =	slt.s32 s13, s5;
	s16 =	sand.u32 $0xF, s16  }
0x55: {  	s18 =	smov.u32 @p1 s13;
	s19 =	sshra.s32 s17, $0x1F;
	p1 =	slt.s32 s4, s15  }
0x56: {  	p5 =	sne.s32 s16, $0x0;
	s20 =	sshrl.u32 s19, $0x1C;
	s21 =	simm.s32 @!p1 $0x0  }
0x57: {  	s18 =	ssub.s32 s18, s4;
	s20 =	sadd.s32 s20, s17;
	s19 =	sor.u32 s21, s19  }
0x58: {  	s28 =	sadd.s32 $0xF, s18;
	s21 =	simm.s32 $0x1;
	p4 =	sne.s32 s19, $0x1  }
0x59: {  	s29 =	sand.u32 $0xF, s28;
	p6 =	slt.s32 s28, $0x1;
	s30 =	sshra.s32 s20, $0x4  }
0x5a: {  	s31 =	sshra.s32 s28, $0x1F;
	s20 =	simm.s32 $0x1;
	p3 =	sne.s32 s29, $0x0  }
0x5b: {  	p1 =	por !p5, !p4;
	s19 =	sshrl.u32 s31, $0x1C;
	p2 =	por !p6, !p3  }
0x5c: {  	p1 =	por !p1, !p1;
	s19 =	sadd.s32 s19, s28;
	p2 =	por !p2, !p2  }
0x5d: {  	s20 =	simm.s32 @!p1 $0x0;
	s22 =	sshra.s32 s19, $0x4;
	s21 =	simm.s32 @!p2 $0x0  }
0x5e: {  	s19 =	ssub.s32 s30, s20;
	s16 =	ssub.s32 s22, s21  }
0x5f: {  	p1 =	sge.s32 s19, s16  }
.Ltmp7:
0x60: {  	_ = 	snop;
	(pc) =	sbr.rel @p1 .LBB2_6-.Ltmp7, $1  }
0x61: {  	_ =	sdelay $0x3  }
0x62: {  	s20 =	sshll.u32 s19, $0x6  }
0x63: {  	s20 =	sshra.s32 s20, $0x2  }
0x64: {  	s20 =	sadd.s32 $0x18800, s20  }
0x65: {  	v1 =	vmov s17;
	s17 =	sadd.s32 $0x1, s19;
	v4 =	vld [tilespmem:s20+$0x0]  }
0x66: {  	s21 =	ssub.s32 s13, s15;
	s15 =	sshll.u32 s19, $0x4;
	p1 =	slt.s32 s17, s16  }
.Ltmp8:
0x67: {  	v2 =	vmov s18;
	s31 =	scvt.s32.f32 s21;
	v3 =	vor.u32 s15, v0;
	(pc) =	sbr.rel @!p1 .LBB2_6-.Ltmp8, $4  }
0x68: {  	vm0 =	vge.s32 v3, v1;
	vm1 =	vlt.s32 v3, v2  }
0x69: {  	v3 =	vmov s31;
	vm0 =	vmand vm0, vm1  }
0x6a: {  	v4 =	vsel vm0, v3, v4  }
0x6b: {  	s18 =	sadd.s32 $0x10, s20;
	[tilespmem:s20+$0x0] =	vst v4  }
.LBB2_11:
0x6c: {  	v4 =	vld [tilespmem:s18+$0x0];
	s17 =	sadd.s32 $0x1, s17  }
0x6d: {  	s15 =	sadd.s32 $0x10, s15;
	p1 =	slt.s32 s17, s16  }
.Ltmp9:
0x6e: {  	v5 =	vor.u32 s15, v0;
	(pc) =	sbr.rel @p1 .LBB2_11-.Ltmp9, $4  }
0x6f: {  	vm0 =	vge.s32 v5, v1;
	vm1 =	vlt.s32 v5, v2  }
0x70: {  	vm0 =	vmand vm0, vm1  }
0x71: {  	v4 =	vsel vm0, v3, v4  }
0x72: {  	[tilespmem:s18+$0x0] =	vst v4;
	s18 =	sadd.s32 $0x10, s18  }
.Ltmp10:
0x73: {  	_ = 	snop;
	(pc) =	sbr.rel .LBB2_6-.Ltmp10, $1  }
0x74: {  	_ =	sdelay $0x3  }
.LBB2_5:
0x75: {  	_ =	sfence.sel $0x180000  }
0x76: {  	[bflag:$0x0] =	sbarrier.arrive $0xFFFF  }
0x77: {  	p0 =	sne.s32 s1, $0x0;
	_ =	strace $0x90000047  }
0x78: {  	s0 =	sadd.s32 @!p0 $0x100000, s0;
	[bflag:$0x2] =	sbarrier.arrive $0xFFFF  }
0x79: {  	[sflag:s0] =	ssyncadd.tile.s32 @!p0 $0x1;
	_ =	shalt  }
.Lfunc_end2:
_tile_overlayer_lowered:
.L_overlay_start_2:
0x7a: {  	(tag) =	ssettag $0x2  }
0x7b: {  	s0 =	rddreg [dreg:$0x0];
	s2 =	stileid.u32  }
0x7c: {  	s1 =	rddreg [dreg:$0x1];
	p0 =	sne.s32 s2, $0x0  }
0x7d: {  	s3 =	rddreg [dreg:$0x2];
	[bflag:$0x3] =	sbarrier.arrive $0xFFFF;
	s2 =	simm.s32 @!p0 $0x1C01  }
0x7e: {  	[timem:s3], [sflag:s2] =	dma.local @!p0 [hbm:s0], s1  }
0x7f: {  	s0 =	simm.s32 @!p0 $0x1  }
0x80: {  	_ =	swait.ge @!p0 [sflag:s0], s1  }
0x81: {  	s1 =	ssub.s32 @!p0 $0x0, s1;
	[sflag:s0] =	ssyncset.done @!p0 $0x0  }
0x82: {  	[sflag:s0] =	ssyncadd.s32 @!p0 s1  }
0x83: {  	[bflag:$0x3] =	sbarrier.arrive $0xFFFF  }
0x84: {  	_ =	shalt  }

</sc_bundles>
